<compile_context>
chip_gen: v7x
topology: tpu7x:2x2x1
jax: 0.10.2.dev20260603
libtpu: 0.0.44.dev20260713+nightly
codegen_flags: <defaults>
</compile_context>

<pallas_src>
import functools

import jax
import jax.numpy as jnp
from jax import lax
from jax.experimental import pallas as pl
from jax.experimental.pallas import tpu as pltpu
from jax.experimental.pallas import tpu_sc as plsc

_B = 4096
_H = 128
_D = 64
_BM = 512


def _make_sc_gather(num_users, num_items):
    info = plsc.get_sparse_core_info()
    nc, ns = info.num_cores, info.num_subcores
    nw = nc * ns
    b_per_w = _B // nw

    @functools.partial(
        pl.kernel,
        mesh=plsc.VectorSubcoreMesh(core_axis_name="c", subcore_axis_name="s"),
        out_type=(
            jax.ShapeDtypeStruct((_B, _H), jnp.float32),
            jax.ShapeDtypeStruct((_B, _H), jnp.float32),
        ),
        scratch_types=[
            pltpu.VMEM((b_per_w,), jnp.int32),
            pltpu.VMEM((b_per_w,), jnp.int32),
            pltpu.VMEM((b_per_w, _H), jnp.float32),
            pltpu.VMEM((b_per_w, _H), jnp.float32),
            pltpu.SemaphoreType.DMA,
            pltpu.SemaphoreType.DMA,
        ],
    )
    def sc_gather(uids_hbm, iids_hbm, utab_hbm, itab_hbm,
                  uout_hbm, iout_hbm,
                  uidx_v, iidx_v, urows_v, irows_v, usem, isem):
        wid = lax.axis_index("s") * nc + lax.axis_index("c")
        base = wid * b_per_w
        pltpu.sync_copy(uids_hbm.at[pl.ds(base, b_per_w)], uidx_v)
        ucp = pltpu.async_copy(utab_hbm.at[uidx_v], urows_v, usem)
        pltpu.sync_copy(iids_hbm.at[pl.ds(base, b_per_w)], iidx_v)
        icp = pltpu.async_copy(itab_hbm.at[iidx_v], irows_v, isem)
        ucp.wait()
        pltpu.sync_copy(urows_v, uout_hbm.at[pl.ds(base, b_per_w)])
        icp.wait()
        pltpu.sync_copy(irows_v, iout_hbm.at[pl.ds(base, b_per_w)])

    return sc_gather


def _tower_c(emb, W1, b1, W2, b2):
    h = jnp.maximum(
        jnp.dot(emb, W1, preferred_element_type=jnp.float32) + b1, 0.0)
    h2 = jnp.dot(h, W2, preferred_element_type=jnp.float32) + b2
    hc = h2 - jnp.mean(h2, axis=-1, keepdims=True)
    ssq = jnp.sum(hc * hc, axis=-1, keepdims=True)
    return hc * lax.rsqrt(jnp.maximum(ssq, 1e-24))


def _tc_body(ue_ref, ie_ref, qW1_ref, qb1_ref, qW2c_ref, qb2c_ref,
             iW1_ref, ib1_ref, iW2c_ref, ib2c_ref,
             invt_ref, out_ref, v_s):
    i = pl.program_id(0)

    @pl.when(i == 0)
    def _():
        v_s[...] = _tower_c(ie_ref[...], iW1_ref[...], ib1_ref[...],
                            iW2c_ref[...], ib2c_ref[...])

    qblk = _tower_c(ue_ref[...], qW1_ref[...], qb1_ref[...], qW2c_ref[...],
                    qb2c_ref[...])
    out_ref[...] = lax.dot_general(
        qblk, v_s[...], (((1,), (1,)), ((), ())),
        preferred_element_type=jnp.float32) * invt_ref[0, 0]


def _tc_towers_logits(user_emb, item_emb, qW1, qb1, qW2c, qb2c,
                      iW1, ib1, iW2c, ib2c, inv_t):
    full = lambda shape: pl.BlockSpec(shape, lambda i: (0,) * len(shape))
    grid = _B // _BM
    return pl.pallas_call(
        _tc_body,
        grid=(grid,),
        in_specs=[
            pl.BlockSpec((_BM, _H), lambda i: (i, 0)), full((_B, _H)),
            full((_H, _D)), full((_D,)), full((_D, _D)), full((_D,)),
            full((_H, _D)), full((_D,)), full((_D, _D)), full((_D,)),
            full((1, 1)),
        ],
        out_specs=pl.BlockSpec((_BM, _B), lambda i: (i, 0)),
        out_shape=jax.ShapeDtypeStruct((_B, _B), jnp.float32),
        scratch_shapes=[
            pltpu.VMEM((_B, _D), jnp.float32),
        ],
    )(user_emb, item_emb, qW1, qb1, qW2c, qb2c,
      iW1, ib1, iW2c, ib2c, inv_t)


def kernel(user_ids, item_ids, user_table, item_table, qW1, qb1, qW2, qb2,
           q_gamma, q_beta, iW1, ib1, iW2, ib2, i_gamma, i_beta,
           temperature):
    num_users, _ = user_table.shape
    num_items, _ = item_table.shape
    sc_gather = _make_sc_gather(num_users, num_items)
    user_emb, item_emb = sc_gather(user_ids, item_ids, user_table,
                                   item_table)
    inv_t = (1.0 / temperature).astype(jnp.float32).reshape(1, 1)
    return _tc_towers_logits(user_emb, item_emb, qW1, qb1, qW2, qb2,
                             iW1, ib1, iW2, ib2, inv_t)

# --- scband reference (transcript-rebuilt; emitter-appended) ---
"""Pipeline reference for scband-two-tower-with-ids-22239340659180 (READ-ONLY COPY).

The authoritative reference and input builder live on the scoring server;
editing this copy changes nothing except your own understanding.
"""

import jax, jax.numpy as jnp
import numpy as np

B = 4096
NUM_USERS = 100000
NUM_ITEMS = 100000
H = 128
D = 64


def _linear_init(k, fan_in, fan_out):
    bound = 1.0 / np.sqrt(fan_in)
    kw, kb = jax.random.split(k)
    W = jax.random.uniform(kw, (fan_in, fan_out), minval=-bound, maxval=bound, dtype=jnp.float32)
    b = jax.random.uniform(kb, (fan_out,), minval=-bound, maxval=bound, dtype=jnp.float32)
    return W, b


def setup_inputs(seed: int = 0) -> dict:
    key = jax.random.key(seed)
    ks = jax.random.split(key, 8)
    user_ids = jax.random.randint(ks[0], (B,), 0, NUM_USERS, dtype=jnp.int64 if jax.config.jax_enable_x64 else jnp.int32)
    item_ids = jax.random.randint(ks[1], (B,), 0, NUM_ITEMS, dtype=jnp.int64 if jax.config.jax_enable_x64 else jnp.int32)
    user_table = jax.random.normal(ks[2], (NUM_USERS, H), dtype=jnp.float32) * 0.01
    item_table = jax.random.normal(ks[3], (NUM_ITEMS, H), dtype=jnp.float32) * 0.01
    qW1, qb1 = _linear_init(ks[4], H, D)
    qW2, qb2 = _linear_init(ks[5], D, D)
    iW1, ib1 = _linear_init(ks[6], H, D)
    iW2, ib2 = _linear_init(ks[7], D, D)
    q_gamma = jnp.ones((D,), jnp.float32)
    q_beta = jnp.zeros((D,), jnp.float32)
    i_gamma = jnp.ones((D,), jnp.float32)
    i_beta = jnp.zeros((D,), jnp.float32)
    temperature = jnp.asarray(0.07, dtype=jnp.float32)
    return {
        'user_ids': user_ids, 'item_ids': item_ids,
        'user_table': user_table, 'item_table': item_table,
        'qW1': qW1, 'qb1': qb1, 'qW2': qW2, 'qb2': qb2,
        'q_gamma': q_gamma, 'q_beta': q_beta,
        'iW1': iW1, 'ib1': ib1, 'iW2': iW2, 'ib2': ib2,
        'i_gamma': i_gamma, 'i_beta': i_beta,
        'temperature': temperature,
    }


def _layer_norm(x, gamma, beta, eps=1e-5):
    mu = jnp.mean(x, axis=-1, keepdims=True)
    var = jnp.var(x, axis=-1, keepdims=True)
    return (x - mu) / jnp.sqrt(var + eps) * gamma + beta


def _l2_normalize(x, eps=1e-12):
    n = jnp.sqrt(jnp.sum(x * x, axis=-1, keepdims=True))
    return x / jnp.maximum(n, eps)


def _tower(emb, W1, b1, W2, b2, gamma, beta):
    h = jnp.maximum(emb @ W1 + b1, 0.0)
    h = h @ W2 + b2
    return _layer_norm(h, gamma, beta)


def reference(user_ids, item_ids, user_table, item_table,
              qW1, qb1, qW2, qb2, q_gamma, q_beta,
              iW1, ib1, iW2, ib2, i_gamma, i_beta, temperature):
    # Embedding lookup (SparseCore gather)
    user_emb = jnp.take(user_table, user_ids, axis=0)
    item_emb = jnp.take(item_table, item_ids, axis=0)
    # Towers
    q = _l2_normalize(_tower(user_emb, qW1, qb1, qW2, qb2, q_gamma, q_beta))
    v = _l2_normalize(_tower(item_emb, iW1, ib1, iW2, ib2, i_gamma, i_beta))
    logits = (q @ v.T) / temperature
    return logits

if __name__ == "__main__":
    import jax
    _d = setup_inputs()
    print(jax.jit(kernel)(*tuple(_d.values())))

</pallas_src>

<mosaic_0001>
#map = affine_map<(d0, d1) -> (0)>
#map1 = affine_map<(d0, d1) -> (0, 0)>
module attributes {stable_mosaic.version = 14 : i64} {
  func.func @sc_gather(%arg0: i32, %arg1: i32, %arg2: memref<4096xi32, #tpu.memory_space<hbm>>, %arg3: memref<4096xi32, #tpu.memory_space<hbm>>, %arg4: memref<100000x128xf32, #tpu.memory_space<hbm>>, %arg5: memref<100000x128xf32, #tpu.memory_space<hbm>>, %arg6: memref<4096x128xf32, #tpu.memory_space<hbm>>, %arg7: memref<4096x128xf32, #tpu.memory_space<hbm>>, %arg8: memref<128xi32, #tpu.memory_space<vmem>>, %arg9: memref<128xi32, #tpu.memory_space<vmem>>, %arg10: memref<128x128xf32, #tpu.memory_space<vmem>>, %arg11: memref<128x128xf32, #tpu.memory_space<vmem>>, %arg12: memref<!tpu.dma_semaphore, #tpu.memory_space<semaphore_mem>>, %arg13: memref<!tpu.dma_semaphore, #tpu.memory_space<semaphore_mem>>) attributes {dimension_semantics = [#tpu.dimension_semantics<core_parallel>, #tpu.dimension_semantics<subcore_parallel>], iteration_bounds = array<i64: 2, 16>, scalar_prefetch = 0 : i64, scratch_operands = 6 : i64, tpu.core_type = #tpu.core_type<sc_vector_subcore>, window_params = [{transform_indices = #map}, {transform_indices = #map}, {transform_indices = #map1}, {transform_indices = #map1}, {transform_indices = #map1}, {transform_indices = #map1}]} {
    %mul3A = arith.constant 2 : i32
    %mul3A_0 = arith.muli %arg1, %mul3A : i32
    %add3A = arith.addi %mul3A_0, %arg0 : i32
    %mul3A_1 = arith.constant 128 : i32
    %mul3A_2 = arith.muli %add3A, %mul3A_1 : i32
    "tpu.region"() ({
      %run_scoped3A = tpu.sem_alloc : memref<!tpu.dma_semaphore, #tpu.memory_space<semaphore_mem>>
      %dma_start3A_13 = tpu.memref_slice %arg2[%mul3A_2] : memref<4096xi32, #tpu.memory_space<hbm>> -> memref<128xi32, #tpu.memory_space<hbm>>
      %dma_start3A_14 = tpu.memref_slice %arg2[%mul3A_2] : memref<4096xi32, #tpu.memory_space<hbm>> -> memref<128xi32, #tpu.memory_space<hbm>>
      tpu.enqueue_dma source(%dma_start3A_14 : memref<128xi32, #tpu.memory_space<hbm>>) target(%arg8 : memref<128xi32, #tpu.memory_space<vmem>>) target_semaphore(%run_scoped3A : memref<!tpu.dma_semaphore, #tpu.memory_space<semaphore_mem>>)
      %dma_wait3A_15 = tpu.memref_slice %arg2[%mul3A_2] : memref<4096xi32, #tpu.memory_space<hbm>> -> memref<128xi32, #tpu.memory_space<hbm>>
      %dma_wait3A_16 = tpu.memref_slice %arg2[%mul3A_2] : memref<4096xi32, #tpu.memory_space<hbm>> -> memref<128xi32, #tpu.memory_space<hbm>>
      tpu.wait_dma2 semaphore(%run_scoped3A : memref<!tpu.dma_semaphore, #tpu.memory_space<semaphore_mem>>) src(%dma_wait3A_16 : memref<128xi32, #tpu.memory_space<hbm>>) dst(%arg8 : memref<128xi32, #tpu.memory_space<vmem>>)
      tpu.yield
    }) : () -> ()
    %dma_start3A = arith.constant 0 : i32
    %dma_start3A_3 = arith.constant 0 : i32
    %dma_start3A_4 = tpu.memref_slice %arg4[%dma_start3A, %dma_start3A_3] : memref<100000x128xf32, #tpu.memory_space<hbm>> -> memref<100000x128xf32, #tpu.memory_space<hbm>>
    tpu.enqueue_indirect_dma source(%dma_start3A_4 : memref<100000x128xf32, #tpu.memory_space<hbm>>) target(%arg10 : memref<128x128xf32, #tpu.memory_space<vmem>>) offsets(%arg8 : memref<128xi32, #tpu.memory_space<vmem>>) semaphore(%arg12 : memref<!tpu.dma_semaphore, #tpu.memory_space<semaphore_mem>>)
    "tpu.region"() ({
      %run_scoped3A = tpu.sem_alloc : memref<!tpu.dma_semaphore, #tpu.memory_space<semaphore_mem>>
      %dma_start3A_13 = tpu.memref_slice %arg3[%mul3A_2] : memref<4096xi32, #tpu.memory_space<hbm>> -> memref<128xi32, #tpu.memory_space<hbm>>
      %dma_start3A_14 = tpu.memref_slice %arg3[%mul3A_2] : memref<4096xi32, #tpu.memory_space<hbm>> -> memref<128xi32, #tpu.memory_space<hbm>>
      tpu.enqueue_dma source(%dma_start3A_14 : memref<128xi32, #tpu.memory_space<hbm>>) target(%arg9 : memref<128xi32, #tpu.memory_space<vmem>>) target_semaphore(%run_scoped3A : memref<!tpu.dma_semaphore, #tpu.memory_space<semaphore_mem>>)
      %dma_wait3A_15 = tpu.memref_slice %arg3[%mul3A_2] : memref<4096xi32, #tpu.memory_space<hbm>> -> memref<128xi32, #tpu.memory_space<hbm>>
      %dma_wait3A_16 = tpu.memref_slice %arg3[%mul3A_2] : memref<4096xi32, #tpu.memory_space<hbm>> -> memref<128xi32, #tpu.memory_space<hbm>>
      tpu.wait_dma2 semaphore(%run_scoped3A : memref<!tpu.dma_semaphore, #tpu.memory_space<semaphore_mem>>) src(%dma_wait3A_16 : memref<128xi32, #tpu.memory_space<hbm>>) dst(%arg9 : memref<128xi32, #tpu.memory_space<vmem>>)
      tpu.yield
    }) : () -> ()
    %dma_start3A_5 = arith.constant 0 : i32
    %dma_start3A_6 = arith.constant 0 : i32
    %dma_start3A_7 = tpu.memref_slice %arg5[%dma_start3A_5, %dma_start3A_6] : memref<100000x128xf32, #tpu.memory_space<hbm>> -> memref<100000x128xf32, #tpu.memory_space<hbm>>
    tpu.enqueue_indirect_dma source(%dma_start3A_7 : memref<100000x128xf32, #tpu.memory_space<hbm>>) target(%arg11 : memref<128x128xf32, #tpu.memory_space<vmem>>) offsets(%arg9 : memref<128xi32, #tpu.memory_space<vmem>>) semaphore(%arg13 : memref<!tpu.dma_semaphore, #tpu.memory_space<semaphore_mem>>)
    %dma_wait3A = arith.constant 0 : i32
    %dma_wait3A_8 = arith.constant 0 : i32
    %dma_wait3A_9 = tpu.memref_slice %arg4[%dma_wait3A, %dma_wait3A_8] : memref<100000x128xf32, #tpu.memory_space<hbm>> -> memref<100000x128xf32, #tpu.memory_space<hbm>>
    tpu.wait_indirect_dma semaphore(%arg12 : memref<!tpu.dma_semaphore, #tpu.memory_space<semaphore_mem>>) src(%dma_wait3A_9 : memref<100000x128xf32, #tpu.memory_space<hbm>>) dst(%arg10 : memref<128x128xf32, #tpu.memory_space<vmem>>)
    "tpu.region"() ({
      %run_scoped3A = tpu.sem_alloc : memref<!tpu.dma_semaphore, #tpu.memory_space<semaphore_mem>>
      %dma_start3A_13 = arith.constant 0 : i32
      %dma_start3A_14 = tpu.memref_slice %arg6[%mul3A_2, %dma_start3A_13] : memref<4096x128xf32, #tpu.memory_space<hbm>> -> memref<128x128xf32, #tpu.memory_space<hbm>>
      %dma_start3A_15 = arith.constant 0 : i32
      %dma_start3A_16 = tpu.memref_slice %arg6[%mul3A_2, %dma_start3A_15] : memref<4096x128xf32, #tpu.memory_space<hbm>> -> memref<128x128xf32, #tpu.memory_space<hbm>>
      tpu.enqueue_dma source(%arg10 : memref<128x128xf32, #tpu.memory_space<vmem>>) target(%dma_start3A_16 : memref<128x128xf32, #tpu.memory_space<hbm>>) target_semaphore(%run_scoped3A : memref<!tpu.dma_semaphore, #tpu.memory_space<semaphore_mem>>)
      %dma_wait3A_17 = arith.constant 0 : i32
      %dma_wait3A_18 = tpu.memref_slice %arg6[%mul3A_2, %dma_wait3A_17] : memref<4096x128xf32, #tpu.memory_space<hbm>> -> memref<128x128xf32, #tpu.memory_space<hbm>>
      %dma_wait3A_19 = arith.constant 0 : i32
      %dma_wait3A_20 = tpu.memref_slice %arg6[%mul3A_2, %dma_wait3A_19] : memref<4096x128xf32, #tpu.memory_space<hbm>> -> memref<128x128xf32, #tpu.memory_space<hbm>>
      tpu.wait_dma2 semaphore(%run_scoped3A : memref<!tpu.dma_semaphore, #tpu.memory_space<semaphore_mem>>) src(%arg10 : memref<128x128xf32, #tpu.memory_space<vmem>>) dst(%dma_wait3A_20 : memref<128x128xf32, #tpu.memory_space<hbm>>)
      tpu.yield
    }) : () -> ()
    %dma_wait3A_10 = arith.constant 0 : i32
    %dma_wait3A_11 = arith.constant 0 : i32
    %dma_wait3A_12 = tpu.memref_slice %arg5[%dma_wait3A_10, %dma_wait3A_11] : memref<100000x128xf32, #tpu.memory_space<hbm>> -> memref<100000x128xf32, #tpu.memory_space<hbm>>
    tpu.wait_indirect_dma semaphore(%arg13 : memref<!tpu.dma_semaphore, #tpu.memory_space<semaphore_mem>>) src(%dma_wait3A_12 : memref<100000x128xf32, #tpu.memory_space<hbm>>) dst(%arg11 : memref<128x128xf32, #tpu.memory_space<vmem>>)
    "tpu.region"() ({
      %run_scoped3A = tpu.sem_alloc : memref<!tpu.dma_semaphore, #tpu.memory_space<semaphore_mem>>
      %dma_start3A_13 = arith.constant 0 : i32
      %dma_start3A_14 = tpu.memref_slice %arg7[%mul3A_2, %dma_start3A_13] : memref<4096x128xf32, #tpu.memory_space<hbm>> -> memref<128x128xf32, #tpu.memory_space<hbm>>
      %dma_start3A_15 = arith.constant 0 : i32
      %dma_start3A_16 = tpu.memref_slice %arg7[%mul3A_2, %dma_start3A_15] : memref<4096x128xf32, #tpu.memory_space<hbm>> -> memref<128x128xf32, #tpu.memory_space<hbm>>
      tpu.enqueue_dma source(%arg11 : memref<128x128xf32, #tpu.memory_space<vmem>>) target(%dma_start3A_16 : memref<128x128xf32, #tpu.memory_space<hbm>>) target_semaphore(%run_scoped3A : memref<!tpu.dma_semaphore, #tpu.memory_space<semaphore_mem>>)
      %dma_wait3A_17 = arith.constant 0 : i32
      %dma_wait3A_18 = tpu.memref_slice %arg7[%mul3A_2, %dma_wait3A_17] : memref<4096x128xf32, #tpu.memory_space<hbm>> -> memref<128x128xf32, #tpu.memory_space<hbm>>
      %dma_wait3A_19 = arith.constant 0 : i32
      %dma_wait3A_20 = tpu.memref_slice %arg7[%mul3A_2, %dma_wait3A_19] : memref<4096x128xf32, #tpu.memory_space<hbm>> -> memref<128x128xf32, #tpu.memory_space<hbm>>
      tpu.wait_dma2 semaphore(%run_scoped3A : memref<!tpu.dma_semaphore, #tpu.memory_space<semaphore_mem>>) src(%arg11 : memref<128x128xf32, #tpu.memory_space<vmem>>) dst(%dma_wait3A_20 : memref<128x128xf32, #tpu.memory_space<hbm>>)
      tpu.yield
    }) : () -> ()
    return
  }
}

module attributes {stable_mosaic.version = 14 : i64} {
  func.func @_tc_body(%arg0: i32, %arg1: memref<512x128xf32, #tpu.memory_space<vmem>>, %arg2: memref<4096x128xf32, #tpu.memory_space<vmem>>, %arg3: memref<128x64xf32, #tpu.memory_space<vmem>>, %arg4: memref<64xf32, #tpu.memory_space<vmem>>, %arg5: memref<64x64xf32, #tpu.memory_space<vmem>>, %arg6: memref<64xf32, #tpu.memory_space<vmem>>, %arg7: memref<128x64xf32, #tpu.memory_space<vmem>>, %arg8: memref<64xf32, #tpu.memory_space<vmem>>, %arg9: memref<64x64xf32, #tpu.memory_space<vmem>>, %arg10: memref<64xf32, #tpu.memory_space<vmem>>, %arg11: memref<1x1xf32, #tpu.memory_space<vmem>>, %arg12: memref<512x4096xf32, #tpu.memory_space<vmem>>, %arg13: memref<4096x64xf32, #tpu.memory_space<vmem>>) attributes {dimension_semantics = [#tpu.dimension_semantics<arbitrary>], iteration_bounds = array<i64: 8>, scalar_prefetch = 0 : i64, scratch_operands = 1 : i64, tpu.core_type = #tpu.core_type<tc>, window_params = [{transform_indices = @transform_0, window_bounds = array<i64: 512, 128>}, {pipeline_mode = #tpu.pipeline_mode<synchronous>, transform_indices = @transform_1, window_bounds = array<i64: 4096, 128>}, {pipeline_mode = #tpu.pipeline_mode<synchronous>, transform_indices = @transform_2, window_bounds = array<i64: 128, 64>}, {pipeline_mode = #tpu.pipeline_mode<synchronous>, transform_indices = @transform_3, window_bounds = array<i64: 64>}, {pipeline_mode = #tpu.pipeline_mode<synchronous>, transform_indices = @transform_4, window_bounds = array<i64: 64, 64>}, {pipeline_mode = #tpu.pipeline_mode<synchronous>, transform_indices = @transform_5, window_bounds = array<i64: 64>}, {pipeline_mode = #tpu.pipeline_mode<synchronous>, transform_indices = @transform_6, window_bounds = array<i64: 128, 64>}, {pipeline_mode = #tpu.pipeline_mode<synchronous>, transform_indices = @transform_7, window_bounds = array<i64: 64>}, {pipeline_mode = #tpu.pipeline_mode<synchronous>, transform_indices = @transform_8, window_bounds = array<i64: 64, 64>}, {pipeline_mode = #tpu.pipeline_mode<synchronous>, transform_indices = @transform_9, window_bounds = array<i64: 64>}, {pipeline_mode = #tpu.pipeline_mode<synchronous>, transform_indices = @transform_10, window_bounds = array<i64: 1, 1>}, {transform_indices = @transform_11, window_bounds = array<i64: 512, 4096>}]} {
    %eq3A = arith.constant 0 : i32
    %eq3A_0 = arith.cmpi eq, %arg0, %eq3A : i32
    %convert_element_type3A = arith.extui %eq3A_0 : i1 to i32
    %cond3A = arith.constant 0 : i32
    %cond3A_1 = arith.cmpi ne, %convert_element_type3A, %cond3A : i32
    scf.if %cond3A_1 {
      %get3A_49 = arith.constant 0 : index
      %get3A_50 = arith.constant 0 : index
      %get3A_51 = vector.load %arg2[%get3A_49, %get3A_50] : memref<4096x128xf32, #tpu.memory_space<vmem>>, vector<4096x128xf32>
      %get3A_52 = arith.constant 0 : index
      %get3A_53 = arith.constant 0 : index
      %get3A_54 = vector.load %arg7[%get3A_52, %get3A_53] : memref<128x64xf32, #tpu.memory_space<vmem>>, vector<128x64xf32>
      %get3A_55 = arith.constant 0 : index
      %get3A_56 = vector.load %arg8[%get3A_55] : memref<64xf32, #tpu.memory_space<vmem>>, vector<64xf32>
      %get3A_57 = arith.constant 0 : index
      %get3A_58 = arith.constant 0 : index
      %get3A_59 = vector.load %arg9[%get3A_57, %get3A_58] : memref<64x64xf32, #tpu.memory_space<vmem>>, vector<64x64xf32>
      %get3A_60 = arith.constant 0 : index
      %get3A_61 = vector.load %arg10[%get3A_60] : memref<64xf32, #tpu.memory_space<vmem>>, vector<64xf32>
      %dot_general3A_62 = arith.constant dense<0.000000e+00> : vector<4096x64xf32>
      %dot_general3A_63 = tpu.matmul %get3A_51, %get3A_54, %dot_general3A_62 {dimension_numbers = #tpu.dot_dimension_numbers<[1], [0], [0], [1], [0, 0, 1, 1], [], []>, transpose_lhs_hint = false} : vector<4096x128xf32>, vector<128x64xf32>, vector<4096x64xf32> -> vector<4096x64xf32>
      %broadcast_in_dim3A_64 = vector.shape_cast %get3A_56 : vector<64xf32> to vector<1x64xf32>
      %add3A_65 = vector.broadcast %broadcast_in_dim3A_64 : vector<1x64xf32> to vector<4096x64xf32>
      %add3A_66 = arith.addf %dot_general3A_63, %add3A_65 : vector<4096x64xf32>
      %max3A_67 = arith.constant 0.000000e+00 : f32
      %max3A_68 = vector.broadcast %max3A_67 : f32 to vector<4096x64xf32>
      %max3A_69 = arith.maximumf %add3A_66, %max3A_68 : vector<4096x64xf32>
      %dot_general3A_70 = arith.constant dense<0.000000e+00> : vector<4096x64xf32>
      %dot_general3A_71 = tpu.matmul %max3A_69, %get3A_59, %dot_general3A_70 {dimension_numbers = #tpu.dot_dimension_numbers<[1], [0], [0], [1], [0, 0, 1, 1], [], []>, transpose_lhs_hint = false} : vector<4096x64xf32>, vector<64x64xf32>, vector<4096x64xf32> -> vector<4096x64xf32>
      %broadcast_in_dim3A_72 = vector.shape_cast %get3A_61 : vector<64xf32> to vector<1x64xf32>
      %add3A_73 = vector.broadcast %broadcast_in_dim3A_72 : vector<1x64xf32> to vector<4096x64xf32>
      %add3A_74 = arith.addf %dot_general3A_71, %add3A_73 : vector<4096x64xf32>
      %reduce_sum3A_75 = arith.constant dense<0.000000e+00> : vector<4096xf32>
      %reduce_sum3A_76 = vector.multi_reduction <add>, %add3A_74, %reduce_sum3A_75 [1] : vector<4096x64xf32> to vector<4096xf32>
      %broadcast_in_dim3A_77 = vector.shape_cast %reduce_sum3A_76 : vector<4096xf32> to vector<4096x1xf32>
      %div3A_78 = arith.constant 6.400000e+01 : f32
      %div3A_79 = vector.broadcast %div3A_78 : f32 to vector<4096x1xf32>
      %div3A_80 = arith.divf %broadcast_in_dim3A_77, %div3A_79 : vector<4096x1xf32>
      %sub3A_81 = vector.broadcast %div3A_80 : vector<4096x1xf32> to vector<4096x64xf32>
      %sub3A_82 = arith.subf %add3A_74, %sub3A_81 : vector<4096x64xf32>
      %mul3A_83 = arith.mulf %sub3A_82, %sub3A_82 : vector<4096x64xf32>
      %reduce_sum3A_84 = arith.constant dense<0.000000e+00> : vector<4096xf32>
      %reduce_sum3A_85 = vector.multi_reduction <add>, %mul3A_83, %reduce_sum3A_84 [1] : vector<4096x64xf32> to vector<4096xf32>
      %broadcast_in_dim3A_86 = vector.shape_cast %reduce_sum3A_85 : vector<4096xf32> to vector<4096x1xf32>
      %max3A_87 = arith.constant 1.000000e-24 : f32
      %max3A_88 = vector.broadcast %max3A_87 : f32 to vector<4096x1xf32>
      %max3A_89 = arith.maximumf %broadcast_in_dim3A_86, %max3A_88 : vector<4096x1xf32>
      %rsqrt3A_90 = math.rsqrt %max3A_89 : vector<4096x1xf32>
      %mul3A_91 = vector.broadcast %rsqrt3A_90 : vector<4096x1xf32> to vector<4096x64xf32>
      %mul3A_92 = arith.mulf %sub3A_82, %mul3A_91 : vector<4096x64xf32>
      %swap3A_93 = arith.constant 0 : index
      %swap3A_94 = arith.constant 0 : index
      %swap3A_95 = vector.load %arg13[%swap3A_93, %swap3A_94] : memref<4096x64xf32, #tpu.memory_space<vmem>>, vector<4096x64xf32>
      tpu.vector_store %arg13[%swap3A_93, %swap3A_94], %mul3A_92 {strides = array<i32>} : memref<4096x64xf32, #tpu.memory_space<vmem>>, vector<4096x64xf32>,
    } else {
    }
    %get3A = arith.constant 0 : index
    %get3A_2 = arith.constant 0 : index
    %get3A_3 = vector.load %arg1[%get3A, %get3A_2] : memref<512x128xf32, #tpu.memory_space<vmem>>, vector<512x128xf32>
    %get3A_4 = arith.constant 0 : index
    %get3A_5 = arith.constant 0 : index
    %get3A_6 = vector.load %arg3[%get3A_4, %get3A_5] : memref<128x64xf32, #tpu.memory_space<vmem>>, vector<128x64xf32>
    %get3A_7 = arith.constant 0 : index
    %get3A_8 = vector.load %arg4[%get3A_7] : memref<64xf32, #tpu.memory_space<vmem>>, vector<64xf32>
    %get3A_9 = arith.constant 0 : index
    %get3A_10 = arith.constant 0 : index
    %get3A_11 = vector.load %arg5[%get3A_9, %get3A_10] : memref<64x64xf32, #tpu.memory_space<vmem>>, vector<64x64xf32>
    %get3A_12 = arith.constant 0 : index
    %get3A_13 = vector.load %arg6[%get3A_12] : memref<64xf32, #tpu.memory_space<vmem>>, vector<64xf32>
    %dot_general3A = arith.constant dense<0.000000e+00> : vector<512x64xf32>
    %dot_general3A_14 = tpu.matmul %get3A_3, %get3A_6, %dot_general3A {dimension_numbers = #tpu.dot_dimension_numbers<[1], [0], [0], [1], [0, 0, 1, 1], [], []>, transpose_lhs_hint = false} : vector<512x128xf32>, vector<128x64xf32>, vector<512x64xf32> -> vector<512x64xf32>
    %broadcast_in_dim3A = vector.shape_cast %get3A_8 : vector<64xf32> to vector<1x64xf32>
    %add3A = vector.broadcast %broadcast_in_dim3A : vector<1x64xf32> to vector<512x64xf32>
    %add3A_15 = arith.addf %dot_general3A_14, %add3A : vector<512x64xf32>
    %max3A = arith.constant 0.000000e+00 : f32
    %max3A_16 = vector.broadcast %max3A : f32 to vector<512x64xf32>
    %max3A_17 = arith.maximumf %add3A_15, %max3A_16 : vector<512x64xf32>
    %dot_general3A_18 = arith.constant dense<0.000000e+00> : vector<512x64xf32>
    %dot_general3A_19 = tpu.matmul %max3A_17, %get3A_11, %dot_general3A_18 {dimension_numbers = #tpu.dot_dimension_numbers<[1], [0], [0], [1], [0, 0, 1, 1], [], []>, transpose_lhs_hint = false} : vector<512x64xf32>, vector<64x64xf32>, vector<512x64xf32> -> vector<512x64xf32>
    %broadcast_in_dim3A_20 = vector.shape_cast %get3A_13 : vector<64xf32> to vector<1x64xf32>
    %add3A_21 = vector.broadcast %broadcast_in_dim3A_20 : vector<1x64xf32> to vector<512x64xf32>
    %add3A_22 = arith.addf %dot_general3A_19, %add3A_21 : vector<512x64xf32>
    %reduce_sum3A = arith.constant dense<0.000000e+00> : vector<512xf32>
    %reduce_sum3A_23 = vector.multi_reduction <add>, %add3A_22, %reduce_sum3A [1] : vector<512x64xf32> to vector<512xf32>
    %broadcast_in_dim3A_24 = vector.shape_cast %reduce_sum3A_23 : vector<512xf32> to vector<512x1xf32>
    %div3A = arith.constant 6.400000e+01 : f32
    %div3A_25 = vector.broadcast %div3A : f32 to vector<512x1xf32>
    %div3A_26 = arith.divf %broadcast_in_dim3A_24, %div3A_25 : vector<512x1xf32>
    %sub3A = vector.broadcast %div3A_26 : vector<512x1xf32> to vector<512x64xf32>
    %sub3A_27 = arith.subf %add3A_22, %sub3A : vector<512x64xf32>
    %mul3A = arith.mulf %sub3A_27, %sub3A_27 : vector<512x64xf32>
    %reduce_sum3A_28 = arith.constant dense<0.000000e+00> : vector<512xf32>
    %reduce_sum3A_29 = vector.multi_reduction <add>, %mul3A, %reduce_sum3A_28 [1] : vector<512x64xf32> to vector<512xf32>
    %broadcast_in_dim3A_30 = vector.shape_cast %reduce_sum3A_29 : vector<512xf32> to vector<512x1xf32>
    %max3A_31 = arith.constant 1.000000e-24 : f32
    %max3A_32 = vector.broadcast %max3A_31 : f32 to vector<512x1xf32>
    %max3A_33 = arith.maximumf %broadcast_in_dim3A_30, %max3A_32 : vector<512x1xf32>
    %rsqrt3A = math.rsqrt %max3A_33 : vector<512x1xf32>
    %mul3A_34 = vector.broadcast %rsqrt3A : vector<512x1xf32> to vector<512x64xf32>
    %mul3A_35 = arith.mulf %sub3A_27, %mul3A_34 : vector<512x64xf32>
    %get3A_36 = arith.constant 0 : index
    %get3A_37 = arith.constant 0 : index
    %get3A_38 = vector.load %arg13[%get3A_36, %get3A_37] : memref<4096x64xf32, #tpu.memory_space<vmem>>, vector<4096x64xf32>
    %dot_general3A_39 = arith.constant dense<0.000000e+00> : vector<512x4096xf32>
    %dot_general3A_40 = tpu.matmul %mul3A_35, %get3A_38, %dot_general3A_39 {dimension_numbers = #tpu.dot_dimension_numbers<[1], [1], [0], [0], [0, 0, 1, 0], [], []>, transpose_lhs_hint = false} : vector<512x64xf32>, vector<4096x64xf32>, vector<512x4096xf32> -> vector<512x4096xf32>
    %get3A_41 = arith.constant 0 : index
    %get3A_42 = arith.constant 0 : index
    %get3A_43 = vector.load %arg11[%get3A_41, %get3A_42] : memref<1x1xf32, #tpu.memory_space<vmem>>, vector<1x1xf32>
    %get3A_44 = vector.extract %get3A_43[0, 0] : f32 from vector<1x1xf32>
    %mul3A_45 = vector.broadcast %get3A_44 : f32 to vector<512x4096xf32>
    %mul3A_46 = arith.mulf %dot_general3A_40, %mul3A_45 : vector<512x4096xf32>
    %swap3A = arith.constant 0 : index
    %swap3A_47 = arith.constant 0 : index
    %swap3A_48 = vector.load %arg12[%swap3A, %swap3A_47] : memref<512x4096xf32, #tpu.memory_space<vmem>>, vector<512x4096xf32>
    tpu.vector_store %arg12[%swap3A, %swap3A_47], %mul3A_46 {strides = array<i32>} : memref<512x4096xf32, #tpu.memory_space<vmem>>, vector<512x4096xf32>,
    return
  }
  func.func @transform_0(%arg0: i32) -> (i32, i32) {
    %c0_i32 = arith.constant 0 : i32
    %c0_i32_0 = arith.constant 0 : i32
    return %arg0, %c0_i32 : i32, i32
  }
  func.func @transform_1(%arg0: i32) -> (i32, i32) {
    %c0_i32 = arith.constant 0 : i32
    %c0_i32_0 = arith.constant 0 : i32
    %c0_i32_1 = arith.constant 0 : i32
    return %c0_i32, %c0_i32_0 : i32, i32
  }
  func.func @transform_2(%arg0: i32) -> (i32, i32) {
    %c0_i32 = arith.constant 0 : i32
    %c0_i32_0 = arith.constant 0 : i32
    %c0_i32_1 = arith.constant 0 : i32
    return %c0_i32, %c0_i32_0 : i32, i32
  }
  func.func @transform_3(%arg0: i32) -> i32 {
    %c0_i32 = arith.constant 0 : i32
    %c0_i32_0 = arith.constant 0 : i32
    return %c0_i32 : i32
  }
  func.func @transform_4(%arg0: i32) -> (i32, i32) {
    %c0_i32 = arith.constant 0 : i32
    %c0_i32_0 = arith.constant 0 : i32
    %c0_i32_1 = arith.constant 0 : i32
    return %c0_i32, %c0_i32_0 : i32, i32
  }
  func.func @transform_5(%arg0: i32) -> i32 {
    %c0_i32 = arith.constant 0 : i32
    %c0_i32_0 = arith.constant 0 : i32
    return %c0_i32 : i32
  }
  func.func @transform_6(%arg0: i32) -> (i32, i32) {
    %c0_i32 = arith.constant 0 : i32
    %c0_i32_0 = arith.constant 0 : i32
    %c0_i32_1 = arith.constant 0 : i32
    return %c0_i32, %c0_i32_0 : i32, i32
  }
  func.func @transform_7(%arg0: i32) -> i32 {
    %c0_i32 = arith.constant 0 : i32
    %c0_i32_0 = arith.constant 0 : i32
    return %c0_i32 : i32
  }
  func.func @transform_8(%arg0: i32) -> (i32, i32) {
    %c0_i32 = arith.constant 0 : i32
    %c0_i32_0 = arith.constant 0 : i32
    %c0_i32_1 = arith.constant 0 : i32
    return %c0_i32, %c0_i32_0 : i32, i32
  }
  func.func @transform_9(%arg0: i32) -> i32 {
    %c0_i32 = arith.constant 0 : i32
    %c0_i32_0 = arith.constant 0 : i32
    return %c0_i32 : i32
  }
  func.func @transform_10(%arg0: i32) -> (i32, i32) {
    %c0_i32 = arith.constant 0 : i32
    %c0_i32_0 = arith.constant 0 : i32
    %c0_i32_1 = arith.constant 0 : i32
    return %c0_i32, %c0_i32_0 : i32, i32
  }
  func.func @transform_11(%arg0: i32) -> (i32, i32) {
    %c0_i32 = arith.constant 0 : i32
    %c0_i32_0 = arith.constant 0 : i32
    return %arg0, %c0_i32 : i32, i32
  }
}

</mosaic_0001>

<sc_bundles>
// kernel: kernel.4.cloned.1.call-start
scs
__scs_entry_jumppad:
0x0: {  	(pc) =	sbr.rel $0x88, $3  }
0x1: {  	(tag) =	ssettag $0x0;
	lr =	simm.s32 $0x1  }
0x2: {  	[smem:$0x3F94] =	sst lr;
	_ =	strace $0xD0000000  }
0x3: {  	_ = 	snop  }
0x4: {  	_ = 	snop  }
0x5: {  	_ = 	snop  }
0x6: {  	_ = 	snop  }
0x7: {  	_ = 	snop  }
__scs_overlays_trampoline_lowered:
0x8: {  	[smem:$0x3FA3] =	sst s0  }
0x9: {  	[smem:$0x3FA4] =	sst s1  }
0xa: {  	[smem:$0x3FA5] =	sst s2  }
0xb: {  	[smem:$0x3FA6] =	sst s3  }
0xc: {  	[smem:$0x3FA7] =	sst s4  }
0xd: {  	[smem:$0x3FA8] =	sst s5  }
0xe: {  	[smem:$0x3FA9] =	sst s6  }
0xf: {  	[smem:$0x3FAA] =	sst s7  }
0x10: {  	[smem:$0x3FAB] =	sst s8  }
0x11: {  	[smem:$0x3FAC] =	sst s9;
	s0 =	simm.s32 @!p0 $0x0  }
0x12: {  	s1 =	sld [smem:$0x3F92];
	s0 =	simm.s32 @p0 $0x1  }
0x13: {  	[smem:$0x3FAD] =	sst s0;
	s0 =	simm.s32 @!p1 $0x0  }
0x14: {  	s2 =	sld [smem:$0x3F91];
	s0 =	simm.s32 @p1 $0x1  }
0x15: {  	[smem:$0x3FAE] =	sst s0;
	s0 =	simm.s32 @!p2 $0x0  }
0x16: {  	s3 =	sld [smem:$0x3FDB];
	s0 =	simm.s32 @p2 $0x1  }
0x17: {  	s4 =	simm.s32 $0x1BF5;
	[smem:$0x3FB0] =	sst s0  }
0x18: {  	s0 =	sld [smem:$0x3F93];
	_ =	swait.ge [sflag:s4], $0x0  }
0x19: {  	s7 =	sld [smem:$0x3F94]  }
0x1a: {  	s8 =	sadd.s32 $0xFFFFE003, lr  }
0x1b: {  	s9 =	sadd.s32 $0xFFFFFEF7, lr;
	s5 =	simm.s32 $0xFFFFFFFF;
	p2 =	slt.u32 s8, $0xFFFFF086  }
0x1c: {  	p1 =	slt.u32 s9, $0xF7A;
	s5 =	simm.s32 @!p2 $0x0  }
0x1d: {  	s5 =	simm.s32 @p1 $0x1;
	p0 =	seq.s32 s7, s2  }
0x1e: {  	s7 =	smul.u32 @!p0 $0xF7A, s2;
	p2 =	seq.s32 @!p0 s5, $0x0  }
0x1f: {  	s9 =	smul.u32 $0xF7A, s1;
	s8 =	simm.s32 @!p0 $0x1BF5;
	p2 =	por !p2, p0  }
0x20: {  	[sflag:s8] =	ssyncset.s32 @!p0 $0xFFFFF086;
	s6 =	sadd.s32 @!p0 s3, s7;
	s7 =	simm.s32 @!p0 $0x108  }
0x21: {  	s3 =	sadd.s32 s3, s9;
	s6 =	sadd.s32 @!p0 $0x88, s6;
	s7 =	simm.s32 @p2 $0x1082  }
0x22: {  	[simem:s7], [sflag:s8] =	dma.local @!p0 [hbm:s6], $0xF7A  }
0x23: {  	s9 =	sor.u32 $0xD0000000, s2;
	s6 =	simm.s32 $0x108;
	_ =	swait.ge @!p0 [sflag:s8], $0x0  }
0x24: {  	s3 =	sadd.s32 $0x88, s3;
	s6 =	simm.s32 @!p1 $0x1082;
	[sflag:s4] =	ssyncset.s32 $0xFFFFF086  }
0x25: {  	[simem:s6], [sflag:s4] =	dma.local [hbm:s3], $0xF7A  }
0x26: {  	[smem:$0x3F94] =	sst s1;
	(tag) =	ssettag s2;
	_ =	strace s9  }
0x27: {  	s1 =	sld [smem:$0x3FA4]  }
0x28: {  	s2 =	sld [smem:$0x3FA5]  }
0x29: {  	s4 =	sld [smem:$0x3FA7]  }
0x2a: {  	p0 =	seq.s32 s5, $0x0;
	s5 =	sld [smem:$0x3FA8]  }
0x2b: {  	s6 =	sld [smem:$0x3FA9]  }
0x2c: {  	s7 =	sld [smem:$0x3FAA]  }
0x2d: {  	s3 =	simm.s32 $0x108;
	s8 =	sld [smem:$0x3FAB]  }
0x2e: {  	s3 =	simm.s32 @!p0 $0x1082;
	s9 =	sld [smem:$0x3FAC]  }
0x2f: {  	lr =	sadd.s32 s0, s3;
	s0 =	sld [smem:$0x3FA3]  }
0x30: {  	s3 =	sld [smem:$0x3FA6]  }
0x31: {  	[smem:$0x3FAF] =	sst s10  }
0x32: {  	s10 =	sld [smem:$0x3FAD];
	_ =	sdelay $0x3  }
0x33: {  	p0 =	seq.s32 s10, $0x1;
	s10 =	sld [smem:$0x3FAF];
	_ =	sdelay $0x3  }
0x34: {  	[smem:$0x3FAF] =	sst s10  }
0x35: {  	s10 =	sld [smem:$0x3FAE];
	_ =	sdelay $0x3  }
0x36: {  	p1 =	seq.s32 s10, $0x1;
	s10 =	sld [smem:$0x3FAF];
	_ =	sdelay $0x3  }
0x37: {  	[smem:$0x3FAF] =	sst s10  }
0x38: {  	s10 =	sld [smem:$0x3FB0]  }
0x39: {  	_ = 	snop;
	(pc) =	sbr.ind lr, $3  }
0x3a: {  	_ = 	snop  }
0x3b: {  	_ = 	snop  }
0x3c: {  	p2 =	seq.s32 s10, $0x1;
	s10 =	sld [smem:$0x3FAF]  }
0x3d: {  	_ =	shalt  }
0x3e: {  	_ =	shalt  }
0x3f: {  	_ =	shalt  }
0x40: {  	_ =	shalt  }
0x41: {  	_ =	shalt  }
0x42: {  	_ =	shalt  }
0x43: {  	_ =	shalt  }
0x44: {  	_ =	shalt  }
0x45: {  	_ =	shalt  }
0x46: {  	_ =	shalt  }
0x47: {  	_ =	shalt  }
0x48: {  	_ =	shalt  }
0x49: {  	_ =	shalt  }
0x4a: {  	_ =	shalt  }
0x4b: {  	_ =	shalt  }
0x4c: {  	_ =	shalt  }
0x4d: {  	_ =	shalt  }
0x4e: {  	_ =	shalt  }
0x4f: {  	_ =	shalt  }
0x50: {  	_ =	shalt  }
0x51: {  	_ =	shalt  }
0x52: {  	_ =	shalt  }
0x53: {  	_ =	shalt  }
0x54: {  	_ =	shalt  }
0x55: {  	_ =	shalt  }
0x56: {  	_ =	shalt  }
0x57: {  	_ =	shalt  }
0x58: {  	_ =	shalt  }
0x59: {  	_ =	shalt  }
0x5a: {  	_ =	shalt  }
0x5b: {  	_ =	shalt  }
0x5c: {  	_ =	shalt  }
0x5d: {  	_ =	shalt  }
0x5e: {  	_ =	shalt  }
0x5f: {  	_ =	shalt  }
0x60: {  	_ =	shalt  }
0x61: {  	_ =	shalt  }
0x62: {  	_ =	shalt  }
0x63: {  	_ =	shalt  }
0x64: {  	_ =	shalt  }
0x65: {  	_ =	shalt  }
0x66: {  	_ =	shalt  }
0x67: {  	_ =	shalt  }
0x68: {  	_ =	shalt  }
0x69: {  	_ =	shalt  }
0x6a: {  	_ =	shalt  }
0x6b: {  	_ =	shalt  }
0x6c: {  	_ =	shalt  }
0x6d: {  	_ =	shalt  }
0x6e: {  	_ =	shalt  }
0x6f: {  	_ =	shalt  }
0x70: {  	_ =	shalt  }
0x71: {  	_ =	shalt  }
0x72: {  	_ =	shalt  }
0x73: {  	_ =	shalt  }
0x74: {  	_ =	shalt  }
0x75: {  	_ =	shalt  }
0x76: {  	_ =	shalt  }
0x77: {  	_ =	shalt  }
0x78: {  	_ =	shalt  }
0x79: {  	_ =	shalt  }
0x7a: {  	_ =	shalt  }
0x7b: {  	_ =	shalt  }
0x7c: {  	_ =	shalt  }
0x7d: {  	_ =	shalt  }
0x7e: {  	_ =	shalt  }
0x7f: {  	_ =	shalt  }
0x80: {  	_ =	shalt  }
0x81: {  	_ =	shalt  }
0x82: {  	_ =	shalt  }
0x83: {  	_ =	shalt  }
0x84: {  	_ =	shalt  }
0x85: {  	_ =	shalt  }
0x86: {  	_ =	shalt  }
0x87: {  	_ =	shalt  }
.Lfunc_end0:
.L_simem_size_0:
called_computation_lowered:
.L_overlay_start_0:
0x88: {  	s2 =	sld [smem:$0x3FD9]  }
0x89: {  	s3 =	sld [smem:$0x3FFE];
	_ =	sdelay $0x1  }
0x8a: {  	s1 =	srdreg.scid  }
0x8b: {  	s0 =	sand.u32 $0x1, s1  }
0x8c: {  	s17 =	sshll.u32 s0, $0xA;
	s2 =	sadd.s32 s3, s2  }
0x8d: {  	s2 =	sadd.s32 s2, s17  }
0x8e: {  	[smem:$0x3FBB] =	sst s2  }
0x8f: {  	_ = 	snop  }
0x90: {  	s2 =	sld [smem:$0x3FC9]  }
0x91: {  	s18 =	sld [smem:$0x3FC8]  }
0x92: {  	s4 =	sld [smem:$0x3FC7]  }
0x93: {  	s5 =	sld [smem:$0x3FC6]  }
0x94: {  	s6 =	sld [smem:$0x3FD0];
	(tm) =	ssettm $0x1  }
0x95: {  	s7 =	sld [smem:$0x3FFB];
	_ =	sdelay $0x3  }
0x96: {  	_ =	strace s7  }
0x97: {  	s7 =	sld [smem:$0x3FFC];
	_ =	sdelay $0x3  }
0x98: {  	_ =	strace s7  }
0x99: {  	s7 =	sld [smem:$0x3FFD];
	_ =	sdelay $0x3  }
0x9a: {  	_ =	strace s7  }
0x9b: {  	_ =	strace $0x8FFFFFFF  }
0x9c: {  	s19 =	sld [smem:$0x3FDB];
	_ =	sdelay $0x1  }
0x9d: {  	s8 =	simm.s32 $_scs_section_size  }
0x9e: {  	s9 =	simm.s32 $_size__tile_overlayer_lowered;
	s10 =	simm.s32 $_tile_overlayer_lowered  }
0x9f: {  	s22 =	simm.s32 $0x1BFF;
	s21 =	sshll.u32 s10, $0x1;
	s7 =	sadd.s32 s8, s19  }
0xa0: {  	s11 =	simm.s32 $0x0;
	s20 =	sshll.u32 s9, $0x1;
	s9 =	sadd.s32 s21, s7  }
0xa1: {  	[timem:s11], [sflag:s22] =	dma.local [hbm:s9], s20  }
0xa2: {  	_ =	swait.ge [sflag:s22], s20  }
0xa3: {  	s8 =	ssub.s32 $0x0, s20;
	[sflag:s22] =	ssyncset.done $0x0  }
0xa4: {  	[sflag:s22] =	ssyncadd.s32 s8;
	_ =	sdelay $0x1  }
0xa5: {  	s23 =	simm.s32 $0x1B8B  }
0xa6: {  	_ =	swait.ge [sflag:s23], $0x1  }
0xa7: {  	[sflag:s23] =	ssyncset.done $0x0  }
0xa8: {  	s25 =	simm.s32 $0x1B8E;
	s24 =	sld [smem:$0x3FFE];
	[sflag:s23] =	ssyncadd.s32 $0xFFFFFFFF  }
0xa9: {  	s26 =	simm.s32 $execute0_lowered;
	[smem:$0x3FD2] =	sst s25  }
0xaa: {  	s9 =	sshll.u32 s26, $0x1;
	_ =	strace $0x80000046;
	[dreg:$0x1] =	wrdreg $0xFFFFFFFF  }
0xab: {  	s28 =	simm.s32 $_size_execute0_lowered;
	s7 =	sadd.s32 s7, s9;
	[dreg:$0x0] =	wrdreg $0x0  }
0xac: {  	s9 =	sshll.u32 s28, $0x1;
	[dreg:$0x2] =	wrdreg s7  }
0xad: {  	[dreg:$0x3] =	wrdreg s9  }
0xae: {  	[dreg:$0x4] =	wrdreg $0xC0  }
0xaf: {  	_ =	task [dreg:s11], $0x5FFFF  }
0xb0: {  	[dreg:$0x1] =	wrdreg $0xFFFFFFFF  }
0xb1: {  	[dreg:$0x0] =	wrdreg $0x60  }
0xb2: {  	[dreg:$0x2] =	wrdreg s2  }
0xb3: {  	[dreg:$0x3] =	wrdreg s18  }
0xb4: {  	[dreg:$0x4] =	wrdreg s4  }
0xb5: {  	[dreg:$0x5] =	wrdreg s5  }
0xb6: {  	[dreg:$0x6] =	wrdreg s6  }
0xb7: {  	[dreg:$0x7] =	wrdreg s24  }
0xb8: {  	[dreg:$0x8] =	wrdreg $0x9  }
0xb9: {  	_ =	task.clear_ibuf [dreg:s11], $0x9FFFF;
	_ =	strace $0x90000046  }
0xba: {  	s29 =	simm.s32 $0x9;
	_ =	strace $0x80000048  }
0xbb: {  	_ =	swait.ge [sflag:s29], $0x1  }
0xbc: {  	[sflag:s29] =	ssyncadd.s32 $0xFFFFFFFF  }
0xbd: {  	_ =	strace $0x90000048  }
0xbe: {  	_ =	sfence  }
0xbf: {  	s30 =	sld [smem:$0x0];
	_ =	sdelay $0x2  }
0xc0: {  	s31 =	sshll.u32 s1, $0xD;
	s1 =	sshrl.u32 s1, $0x2  }
0xc1: {  	s3 =	sand.u32 $0x4000, s31;
	s1 =	sadd.s32 s1, s30  }
0xc2: {  	s0 =	sor.u32 s3, s0;
	s1 =	sshll.u32 s1, $0x11  }
0xc3: {  	s0 =	sor.u32 s1, s0  }
0xc4: {  	s0 =	sadd.s32 $0x8F2B, s0  }
0xc5: {  	[sflag:s0] =	ssyncadd.remote.s32 $0x1  }
0xc6: {  	_ =	sfence.sel $0xFFFF  }
0xc7: {  	[dreg:$0x0] =	wrdreg $0xFFFFFFFF;
	(pc) =	sbr.abs _section_cstart, $3  }
0xc8: {  	[dreg:$0x1] =	wrdreg $0xFFFFFFFF  }
0xc9: {  	_ =	task.clear_ibuf [dreg:s11], $0x2FFFF;
	_ =	strace $0x9FFFFFFF  }
0xca: {  	(tm) =	ssettm $0x7FFFFFFF  }
0xcb: {  	_ =	shalt  }
tec
execute0_lowered:
.L_overlay_start_1:
0x0: {  	(tag) =	ssettag $0x1  }
0x1: {  	s5 =	rddreg [dreg:$0x0]  }
0x2: {  	s9 =	rddreg [dreg:$0x1]  }
0x3: {  	s1 =	rddreg [dreg:$0x2]  }
0x4: {  	s2 =	rddreg [dreg:$0x3];
	s3 =	srdreg.scid  }
0x5: {  	s12 =	rddreg [dreg:$0x4];
	s0 =	stileid.u32;
	s13 =	sand.u32 $0x1, s3  }
0x6: {  	s14 =	rddreg [dreg:$0x5];
	s6 =	sshll.u32 s0, $0x8;
	s7 =	sshll.u32 s13, $0x7  }
0x7: {  	s4 =	simm.s32 $0x0;
	s3 =	rddreg [dreg:$0x6];
	s15 =	sor.u32 s7, s6  }
0x8: {  	[smem:$0x7FF] =	sst s4;
	s10 =	sshrl.u32 s15, $0x3  }
0x9: {  	_ =	strace $0x80000047;
	s6 =	sadd.s32 s5, s10;
	s5 =	simm.s32 $0x3  }
0xa: {  	[tilespmem:s4], [sflag:$0x3] =	stream.linear.gather [hbm4b:s6+s4], $0x80, $0x38;
	[tilespmem:$0x8100] =	vst v63  }
0xb: {  	_ =	swait.ge [sflag:s5], $0x80  }
0xc: {  	[sflag:s5] =	ssyncset.done $0x0  }
0xd: {  	s8 =	simm.s32 $0x100;
	s7 =	simm.s32 $0x80;
	[sflag:s5] =	ssyncadd.s32 $0xFFFFFF80  }
0xe: {  	[tilespmem:s8], [sflag:$0x1] =	stream.indirect.gather [hbm4b:s1+s7], $0x80, s4, s7, $0xb8;
	[tilespmem:$0x8100] =	vst v63  }
0xf: {  	s9 =	sadd.s32 s9, s10  }
0x10: {  	[tilespmem:s7], [sflag:$0x3] =	stream.linear.gather [hbm4b:s9+s4], $0x80, $0x38;
	[tilespmem:$0x8100] =	vst v63  }
0x11: {  	_ =	swait.ge [sflag:s5], $0x80  }
0x12: {  	[sflag:s5] =	ssyncset.done $0x0  }
0x13: {  	s11 =	simm.s32 $0x1;
	s10 =	simm.s32 $0x4100;
	[sflag:s5] =	ssyncadd.s32 $0xFFFFFF80  }
0x14: {  	[tilespmem:s10], [sflag:$0x2] =	stream.indirect.gather [hbm4b:s2+s7], $0x80, s7, s7, $0xb8;
	[tilespmem:$0x8100] =	vst v63  }
0x15: {  	_ =	swait.ge [sflag:s11], $0x4000  }
0x16: {  	s15 =	sshll.u32 s15, $0x4;
	[sflag:s11] =	ssyncset.done $0x0  }
0x17: {  	s16 =	ssub.s32 $0x2, s13;
	s12 =	sadd.s32 s12, s15;
	[sflag:s11] =	ssyncadd.s32 $0xFFFFC000  }
0x18: {  	[hbm4b:s12+s4] =	stream.linear.scatter [tilespmem:s8], [sflag:$0x3], $0x4000, $0x38;
	[tilespmem:$0x8100] =	vst v63  }
0x19: {  	s17 =	sshrl.u32 s16, $0x1;
	_ =	swait.ge [sflag:s5], $0x4000  }
0x1a: {  	s13 =	simm.s32 $0x2;
	s31 =	ssub.s32 s16, s17;
	[sflag:s5] =	ssyncset.done $0x0  }
0x1b: {  	s14 =	sadd.s32 s15, s14;
	s15 =	smax.u32 s31, $0x1;
	[sflag:s5] =	ssyncadd.s32 $0xFFFFC000  }
0x1c: {  	p0 =	sne.s32 s15, $0x1;
	_ =	swait.ge [sflag:s13], $0x4000  }
.Ltmp0:
0x1d: {  	[sflag:s13] =	ssyncset.done $0x0;
	(pc) =	sbr.rel @!p0 .LBB2_2-.Ltmp0, $4  }
0x1e: {  	s14 =	sadd.s32 $0x1C00, s14;
	[sflag:s13] =	ssyncadd.s32 $0xFFFFC000  }
0x1f: {  	[hbm4b:s14+s4] =	stream.linear.scatter [tilespmem:s10], [sflag:$0x3], $0x4000, $0x38;
	[tilespmem:$0x8100] =	vst v63  }
0x20: {  	_ =	swait.ge [sflag:s5], $0x4000  }
0x21: {  	s15 =	sadd.s32 $0xFFFFFFFF, s15;
	[sflag:s5] =	ssyncset.done $0x0  }
.LBB2_1:
0x22: {  	p0 =	sne.s32 s15, $0x1;
	s15 =	sadd.s32 $0xFFFFFFFF, s15;
	[sflag:s5] =	ssyncadd.s32 $0xFFFFC000  }
0x23: {  	[tilespmem:s4], [sflag:$0x3] =	stream.linear.gather [hbm4b:s6+s4], $0x80, $0x38;
	[tilespmem:$0x8100] =	vst v63  }
0x24: {  	_ =	swait.ge [sflag:s5], $0x80  }
0x25: {  	[sflag:s5] =	ssyncset.done $0x0  }
0x26: {  	[sflag:s5] =	ssyncadd.s32 $0xFFFFFF80  }
0x27: {  	[tilespmem:s8], [sflag:$0x1] =	stream.indirect.gather [hbm4b:s1+s7], $0x80, s4, s7, $0xb8;
	[tilespmem:$0x8100] =	vst v63  }
0x28: {  	_ = 	snop  }
0x29: {  	[tilespmem:s7], [sflag:$0x3] =	stream.linear.gather [hbm4b:s9+s4], $0x80, $0x38;
	[tilespmem:$0x8100] =	vst v63  }
0x2a: {  	_ =	swait.ge [sflag:s5], $0x80  }
0x2b: {  	[sflag:s5] =	ssyncset.done $0x0  }
0x2c: {  	[sflag:s5] =	ssyncadd.s32 $0xFFFFFF80  }
0x2d: {  	[tilespmem:s10], [sflag:$0x2] =	stream.indirect.gather [hbm4b:s2+s7], $0x80, s7, s7, $0xb8;
	[tilespmem:$0x8100] =	vst v63  }
0x2e: {  	_ =	swait.ge [sflag:s11], $0x4000  }
0x2f: {  	[sflag:s11] =	ssyncset.done $0x0  }
0x30: {  	[sflag:s11] =	ssyncadd.s32 $0xFFFFC000  }
0x31: {  	[hbm4b:s12+s4] =	stream.linear.scatter [tilespmem:s8], [sflag:$0x3], $0x4000, $0x38;
	[tilespmem:$0x8100] =	vst v63  }
0x32: {  	_ =	swait.ge [sflag:s5], $0x4000  }
0x33: {  	[sflag:s5] =	ssyncset.done $0x0  }
0x34: {  	[sflag:s5] =	ssyncadd.s32 $0xFFFFC000  }
0x35: {  	_ =	swait.ge [sflag:s13], $0x4000  }
.Ltmp1:
0x36: {  	[sflag:s13] =	ssyncset.done $0x0;
	(pc) =	sbr.rel @p0 .LBB2_1-.Ltmp1, $4  }
0x37: {  	[sflag:s13] =	ssyncadd.s32 $0xFFFFC000  }
0x38: {  	[hbm4b:s14+s4] =	stream.linear.scatter [tilespmem:s10], [sflag:$0x3], $0x4000, $0x38;
	[tilespmem:$0x8100] =	vst v63  }
0x39: {  	_ =	swait.ge [sflag:s5], $0x4000  }
0x3a: {  	[sflag:s5] =	ssyncset.done $0x0  }
.LBB2_2:
0x3b: {  	[sflag:s5] =	ssyncadd.s32 $0xFFFFC000  }
0x3c: {  	_ =	sfence.sel $0x180000  }
0x3d: {  	[bflag:$0x0] =	sbarrier.arrive $0xFFFF  }
0x3e: {  	p0 =	sne.s32 s0, $0x0;
	_ =	strace $0x90000047  }
0x3f: {  	s0 =	sadd.s32 @!p0 $0x100000, s3;
	[bflag:$0x2] =	sbarrier.arrive $0xFFFF  }
0x40: {  	[sflag:s0] =	ssyncadd.tile.s32 @!p0 $0x1;
	_ =	shalt  }
.Lfunc_end2:
_tile_overlayer_lowered:
.L_overlay_start_2:
0x41: {  	(tag) =	ssettag $0x2  }
0x42: {  	s0 =	rddreg [dreg:$0x0];
	s2 =	stileid.u32  }
0x43: {  	s1 =	rddreg [dreg:$0x1];
	p0 =	sne.s32 s2, $0x0  }
0x44: {  	s3 =	rddreg [dreg:$0x2];
	[bflag:$0x3] =	sbarrier.arrive $0xFFFF;
	s2 =	simm.s32 @!p0 $0x1C03  }
0x45: {  	[timem:s3], [sflag:s2] =	dma.local @!p0 [hbm:s0], s1  }
0x46: {  	s0 =	simm.s32 @!p0 $0x3  }
0x47: {  	_ =	swait.ge @!p0 [sflag:s0], s1  }
0x48: {  	s1 =	ssub.s32 @!p0 $0x0, s1;
	[sflag:s0] =	ssyncset.done @!p0 $0x0  }
0x49: {  	[sflag:s0] =	ssyncadd.s32 @!p0 s1  }
0x4a: {  	[bflag:$0x3] =	sbarrier.arrive $0xFFFF  }
0x4b: {  	_ =	shalt  }

</sc_bundles>
